<compile_context>
chip_gen: v7x
topology: tpu7x:2x2x1
jax: 0.10.2.dev20260603
libtpu: 0.0.44.dev20260713+nightly
codegen_flags: <defaults>
</compile_context>

<pallas_src>
import functools

import jax
import jax.numpy as jnp
from jax import lax
from jax.experimental import pallas as pl
from jax.experimental.pallas import tpu as pltpu
from jax.experimental.pallas import tpu_sc as plsc

NUM_ELEMENTS = 1000000
EMBED_DIM = 20
OUT_DIM = 2


@functools.partial(
    pl.kernel,
    out_type=jax.ShapeDtypeStruct((1, 16), jnp.float32),
    mesh=plsc.VectorSubcoreMesh(core_axis_name="c", subcore_axis_name="s",
                                num_cores=1),
    scratch_types=[
        pltpu.VMEM((16,), jnp.int32),
        pltpu.VMEM((16,), jnp.int32),
        pltpu.VMEM((16,), jnp.int32),
        pltpu.VMEM((16,), jnp.float32),
        pltpu.VMEM((EMBED_DIM, 128), jnp.float32),
        pltpu.VMEM((2, EMBED_DIM), jnp.float32),
        pltpu.VMEM((1, 16), jnp.float32),
        pltpu.SemaphoreType.DMA,
        pltpu.SemaphoreType.DMA,
    ],
    compiler_params=pltpu.CompilerParams(skip_device_barrier=True),
)
def _sc_lookup_logsoftmax(idx_hbm, tablet_hbm, w_hbm, b_hbm, out_hbm,
                          zidx_v, idxb_v, bidx_v, bb_v, colblk_v, w_v,
                          out_v, sem, sem2):
    sid = lax.axis_index("s")

    @pl.when(sid == 0)
    def _():
        io = lax.iota(jnp.int32, 16)
        fzero = jnp.zeros((16,), jnp.float32)

        zidx_v[...] = io * 0
        bidx_v[...] = jnp.minimum(io, 1)
        idx_fetch = pltpu.async_copy(idx_hbm.at[zidx_v], idxb_v, sem)
        b_fetch = pltpu.async_copy(b_hbm.at[bidx_v], bb_v, sem2)

        pltpu.sync_copy(w_hbm, w_v)

        idx_fetch.wait()
        i = idxb_v[...][0]

        r = lax.rem(i, 128)
        base = pl.multiple_of(i - r, 128)
        blk_fetch = pltpu.async_copy(
            tablet_hbm.at[:, pl.ds(base, 128)], colblk_v, sem)

        dwa = w_v[1, pl.ds(0, 16)] - w_v[0, pl.ds(0, 16)]
        dwb_ov = w_v[1, pl.ds(4, 16)] - w_v[0, pl.ds(4, 16)]
        dwb = jnp.where(io >= 12, dwb_ov, 0.0)
        b_fetch.wait()
        bb = bb_v[...]
        rm = lax.rem(r, 16)
        roff = pl.multiple_of(r - rm, 16)
        blk_fetch.wait()

        wsum = fzero
        for j in range(EMBED_DIM):
            dwj = dwa[j] if j < 16 else dwb[j - 4]
            wsum = wsum + colblk_v[j, pl.ds(roff, 16)] * dwj
        rmv = io * 0 + rm
        dvec = wsum.at[rmv].get(mode="promise_in_bounds") + (bb[1] - bb[0])

        t = jnp.where(io == 0, dvec, -dvec)
        import math
        aa = jnp.minimum(jnp.abs(t), 16.0)
        yz = aa * 0.125 - 1.0
        p = jnp.full((16,), 1.0 / math.factorial(10), dtype=jnp.float32)
        for k in range(9, -1, -1):
            p = p * (-yz) + 1.0 / math.factorial(k)
        u8 = p * (1.0 / math.e)
        u4 = u8 * u8
        u2 = u4 * u4
        u = u2 * u2
        den = 2.0 + u
        v = 0.4925 - 0.1575 * u
        v = v * (2.0 - den * v)
        v = v * (2.0 - den * v)
        v = v * (2.0 - den * v)
        w = u * v
        w2 = w * w
        s9 = ((((1.0 / 9) * w2 + (1.0 / 7)) * w2 + (1.0 / 5)) * w2
              + (1.0 / 3)) * w2 + 1.0
        out_v[0, pl.ds(0, 16)] = -(jnp.maximum(t, 0.0) + 2.0 * w * s9)

        pltpu.sync_copy(out_v, out_hbm)


def kernel(indices, emb_table, W, b):
    table_t = emb_table.T
    out = _sc_lookup_logsoftmax(indices.astype(jnp.int32), table_t, W, b)
    return out[:, :OUT_DIM]

# --- scband reference (transcript-rebuilt; emitter-appended) ---
"""Pipeline reference for scband-learner-m-15728170238459 (READ-ONLY COPY).

The authoritative reference and input builder live on the scoring server;
editing this copy changes nothing except your own understanding.
"""

import jax, jax.numpy as jnp
import numpy as np

NUM_ELEMENTS = 1000000
EMBED_DIM = 20
OUT_DIM = 2

def setup_inputs(seed: int = 0) -> dict:
    key = jax.random.key(seed)
    k1, k2, k3, k4 = jax.random.split(key, 4)
    indices = jax.random.randint(k1, (1,), 0, NUM_ELEMENTS, dtype=jnp.int64 if jax.config.jax_enable_x64 else jnp.int32)
    emb_table = jax.random.normal(k2, (NUM_ELEMENTS, EMBED_DIM), dtype=jnp.float32)
    W = jax.random.normal(k3, (OUT_DIM, EMBED_DIM), dtype=jnp.float32) * (1.0 / np.sqrt(EMBED_DIM))
    b = jax.random.normal(k4, (OUT_DIM,), dtype=jnp.float32) * 0.01
    return {"indices": indices, "emb_table": emb_table, "W": W, "b": b}

def reference(indices, emb_table, W, b):
    # nn.Embedding lookup
    embed = jnp.take(emb_table, indices, axis=0)  # [1, 20]
    embed = embed.reshape(1, -1)                  # [1, 20]
    # nn.Linear
    logits = embed @ W.T + b                      # [1, 2]
    # F.log_softmax(dim=1)
    out = jax.nn.log_softmax(logits, axis=1)
    return out

if __name__ == "__main__":
    import jax
    _d = setup_inputs()
    print(jax.jit(kernel)(*tuple(_d.values())))

</pallas_src>

<mosaic_0001>
#map = affine_map<(d0, d1) -> (0)>
#map1 = affine_map<(d0, d1) -> (0, 0)>
module attributes {stable_mosaic.version = 14 : i64} {
  func.func @_sc_lookup_logsoftmax(%arg0: i32, %arg1: i32, %arg2: memref<1xi32, #tpu.memory_space<hbm>>, %arg3: memref<20x1000000xf32, #tpu.memory_space<hbm>>, %arg4: memref<2x20xf32, #tpu.memory_space<hbm>>, %arg5: memref<2xf32, #tpu.memory_space<hbm>>, %arg6: memref<1x16xf32, #tpu.memory_space<hbm>>, %arg7: memref<16xi32, #tpu.memory_space<vmem>>, %arg8: memref<16xi32, #tpu.memory_space<vmem>>, %arg9: memref<16xi32, #tpu.memory_space<vmem>>, %arg10: memref<16xf32, #tpu.memory_space<vmem>>, %arg11: memref<20x128xf32, #tpu.memory_space<vmem>>, %arg12: memref<2x20xf32, #tpu.memory_space<vmem>>, %arg13: memref<1x16xf32, #tpu.memory_space<vmem>>, %arg14: memref<!tpu.dma_semaphore, #tpu.memory_space<semaphore_mem>>, %arg15: memref<!tpu.dma_semaphore, #tpu.memory_space<semaphore_mem>>) attributes {dimension_semantics = [#tpu.dimension_semantics<core_parallel>, #tpu.dimension_semantics<subcore_parallel>], iteration_bounds = array<i64: 1, 16>, scalar_prefetch = 0 : i64, scratch_operands = 9 : i64, tpu.core_type = #tpu.core_type<sc_vector_subcore>, window_params = [{transform_indices = #map}, {transform_indices = #map1}, {transform_indices = #map1}, {transform_indices = #map}, {transform_indices = #map1}]} {
    %eq3A = arith.constant 0 : i32
    %eq3A_0 = arith.cmpi eq, %arg1, %eq3A : i32
    %convert_element_type3A = arith.extui %eq3A_0 : i1 to i32
    %cond3A = arith.constant 0 : i32
    %cond3A_1 = arith.cmpi ne, %convert_element_type3A, %cond3A : i32
    scf.if %cond3A_1 {
      %iota3A = tpu.iota {dimensions = array<i32: 0>} : vector<16xi32>
      %broadcast_in_dim3A = arith.constant 0.000000e+00 : f32
      %broadcast_in_dim3A_2 = vector.broadcast %broadcast_in_dim3A : f32 to vector<16xf32>
      %mul3A = arith.constant 0 : i32
      %mul3A_3 = vector.broadcast %mul3A : i32 to vector<16xi32>
      %mul3A_4 = arith.muli %iota3A, %mul3A_3 : vector<16xi32>
      %swap3A = arith.constant 0 : index
      %swap3A_5 = tpu.vector_load %arg7[%swap3A] {strides = array<i32>} : memref<16xi32, #tpu.memory_space<vmem>>, vector<16xi32>,
      %swap3A_6 = vector.shape_cast %swap3A_5 : vector<16xi32> to vector<16xi32>
      %swap3A_7 = vector.shape_cast %mul3A_4 : vector<16xi32> to vector<16xi32>
      tpu.vector_store %arg7[%swap3A], %swap3A_7 {strides = array<i32>} : memref<16xi32, #tpu.memory_space<vmem>>, vector<16xi32>,
      %min3A = arith.constant 1 : i32
      %min3A_8 = vector.broadcast %min3A : i32 to vector<16xi32>
      %min3A_9 = arith.minsi %iota3A, %min3A_8 : vector<16xi32>
      %swap3A_10 = arith.constant 0 : index
      %swap3A_11 = tpu.vector_load %arg9[%swap3A_10] {strides = array<i32>} : memref<16xi32, #tpu.memory_space<vmem>>, vector<16xi32>,
      %swap3A_12 = vector.shape_cast %swap3A_11 : vector<16xi32> to vector<16xi32>
      %swap3A_13 = vector.shape_cast %min3A_9 : vector<16xi32> to vector<16xi32>
      tpu.vector_store %arg9[%swap3A_10], %swap3A_13 {strides = array<i32>} : memref<16xi32, #tpu.memory_space<vmem>>, vector<16xi32>,
      %dma_start3A = arith.constant 0 : i32
      %dma_start3A_14 = tpu.memref_slice %arg2[%dma_start3A] : memref<1xi32, #tpu.memory_space<hbm>> -> memref<1xi32, #tpu.memory_space<hbm>>
      tpu.enqueue_indirect_dma source(%dma_start3A_14 : memref<1xi32, #tpu.memory_space<hbm>>) target(%arg8 : memref<16xi32, #tpu.memory_space<vmem>>) offsets(%arg7 : memref<16xi32, #tpu.memory_space<vmem>>) semaphore(%arg14 : memref<!tpu.dma_semaphore, #tpu.memory_space<semaphore_mem>>)
      %dma_start3A_15 = arith.constant 0 : i32
      %dma_start3A_16 = tpu.memref_slice %arg5[%dma_start3A_15] : memref<2xf32, #tpu.memory_space<hbm>> -> memref<2xf32, #tpu.memory_space<hbm>>
      tpu.enqueue_indirect_dma source(%dma_start3A_16 : memref<2xf32, #tpu.memory_space<hbm>>) target(%arg10 : memref<16xf32, #tpu.memory_space<vmem>>) offsets(%arg9 : memref<16xi32, #tpu.memory_space<vmem>>) semaphore(%arg15 : memref<!tpu.dma_semaphore, #tpu.memory_space<semaphore_mem>>)
      "tpu.region"() ({
        %run_scoped3A = tpu.sem_alloc : memref<!tpu.dma_semaphore, #tpu.memory_space<semaphore_mem>>
        tpu.enqueue_dma source(%arg4 : memref<2x20xf32, #tpu.memory_space<hbm>>) target(%arg12 : memref<2x20xf32, #tpu.memory_space<vmem>>) target_semaphore(%run_scoped3A : memref<!tpu.dma_semaphore, #tpu.memory_space<semaphore_mem>>)
        tpu.wait_dma2 semaphore(%run_scoped3A : memref<!tpu.dma_semaphore, #tpu.memory_space<semaphore_mem>>) src(%arg4 : memref<2x20xf32, #tpu.memory_space<hbm>>) dst(%arg12 : memref<2x20xf32, #tpu.memory_space<vmem>>)
        tpu.yield
      }) : () -> ()
      %dma_wait3A = arith.constant 0 : i32
      %dma_wait3A_17 = tpu.memref_slice %arg2[%dma_wait3A] : memref<1xi32, #tpu.memory_space<hbm>> -> memref<1xi32, #tpu.memory_space<hbm>>
      tpu.wait_indirect_dma semaphore(%arg14 : memref<!tpu.dma_semaphore, #tpu.memory_space<semaphore_mem>>) src(%dma_wait3A_17 : memref<1xi32, #tpu.memory_space<hbm>>) dst(%arg8 : memref<16xi32, #tpu.memory_space<vmem>>)
      %get3A = arith.constant 0 : index
      %get3A_18 = tpu.vector_load %arg8[%get3A] {strides = array<i32>} : memref<16xi32, #tpu.memory_space<vmem>>, vector<16xi32>,
      %get3A_19 = vector.shape_cast %get3A_18 : vector<16xi32> to vector<16xi32>
      %slice3A = vector.extract_strided_slice %get3A_19 {offsets = [0], sizes = [1], strides = [1]} : vector<16xi32> to vector<1xi32>
      %squeeze3A = vector.extract %slice3A[0] : i32 from vector<1xi32>
      %rem3A = arith.constant 128 : i32
      %rem3A_20 = arith.remsi %squeeze3A, %rem3A : i32
      %sub3A = arith.subi %squeeze3A, %rem3A_20 : i32
      %multiple_of3A = tpu.assume_multiple %sub3A, 128 : i32
      %dma_start3A_21 = arith.constant 0 : i32
      %dma_start3A_22 = tpu.memref_slice %arg3[%dma_start3A_21, %multiple_of3A] : memref<20x1000000xf32, #tpu.memory_space<hbm>> -> memref<20x128xf32, #tpu.memory_space<hbm>>
      %dma_start3A_23 = arith.constant 0 : i32
      %dma_start3A_24 = tpu.memref_slice %arg3[%dma_start3A_23, %multiple_of3A] : memref<20x1000000xf32, #tpu.memory_space<hbm>> -> memref<20x128xf32, #tpu.memory_space<hbm>>
      tpu.enqueue_dma source(%dma_start3A_24 : memref<20x128xf32, #tpu.memory_space<hbm>>) target(%arg11 : memref<20x128xf32, #tpu.memory_space<vmem>>) target_semaphore(%arg14 : memref<!tpu.dma_semaphore, #tpu.memory_space<semaphore_mem>>)
      %get3A_25 = arith.constant 1 : i32
      %get3A_26 = arith.index_cast %get3A_25 : i32 to index
      %get3A_27 = arith.constant 0 : index
      %get3A_28 = tpu.vector_load %arg12[%get3A_26, %get3A_27] {strides = array<i32>} : memref<2x20xf32, #tpu.memory_space<vmem>>, vector<1x16xf32>,
      %get3A_29 = vector.shape_cast %get3A_28 : vector<1x16xf32> to vector<16xf32>
      %get3A_30 = arith.constant 0 : i32
      %get3A_31 = arith.index_cast %get3A_30 : i32 to index
      %get3A_32 = arith.constant 0 : index
      %get3A_33 = tpu.vector_load %arg12[%get3A_31, %get3A_32] {strides = array<i32>} : memref<2x20xf32, #tpu.memory_space<vmem>>, vector<1x16xf32>,
      %get3A_34 = vector.shape_cast %get3A_33 : vector<1x16xf32> to vector<16xf32>
      %sub3A_35 = arith.subf %get3A_29, %get3A_34 : vector<16xf32>
      %get3A_36 = arith.constant 1 : i32
      %get3A_37 = arith.index_cast %get3A_36 : i32 to index
      %get3A_38 = arith.constant 4 : index
      %get3A_39 = tpu.vector_load %arg12[%get3A_37, %get3A_38] {strides = array<i32>} : memref<2x20xf32, #tpu.memory_space<vmem>>, vector<1x16xf32>,
      %get3A_40 = vector.shape_cast %get3A_39 : vector<1x16xf32> to vector<16xf32>
      %get3A_41 = arith.constant 0 : i32
      %get3A_42 = arith.index_cast %get3A_41 : i32 to index
      %get3A_43 = arith.constant 4 : index
      %get3A_44 = tpu.vector_load %arg12[%get3A_42, %get3A_43] {strides = array<i32>} : memref<2x20xf32, #tpu.memory_space<vmem>>, vector<1x16xf32>,
      %get3A_45 = vector.shape_cast %get3A_44 : vector<1x16xf32> to vector<16xf32>
      %sub3A_46 = arith.subf %get3A_40, %get3A_45 : vector<16xf32>
      %ge3A = arith.constant 12 : i32
      %ge3A_47 = vector.broadcast %ge3A : i32 to vector<16xi32>
      %ge3A_48 = arith.cmpi sge, %iota3A, %ge3A_47 : vector<16xi32>
      %jit3A = arith.constant 0.000000e+00 : f32
      %broadcast_in_dim3A_49 = vector.broadcast %jit3A : f32 to vector<16xf32>
      %select_n3A = arith.select %ge3A_48, %sub3A_46, %broadcast_in_dim3A_49 : vector<16xi1>, vector<16xf32>
      %dma_wait3A_50 = arith.constant 0 : i32
      %dma_wait3A_51 = tpu.memref_slice %arg5[%dma_wait3A_50] : memref<2xf32, #tpu.memory_space<hbm>> -> memref<2xf32, #tpu.memory_space<hbm>>
      tpu.wait_indirect_dma semaphore(%arg15 : memref<!tpu.dma_semaphore, #tpu.memory_space<semaphore_mem>>) src(%dma_wait3A_51 : memref<2xf32, #tpu.memory_space<hbm>>) dst(%arg10 : memref<16xf32, #tpu.memory_space<vmem>>)
      %get3A_52 = arith.constant 0 : index
      %get3A_53 = tpu.vector_load %arg10[%get3A_52] {strides = array<i32>} : memref<16xf32, #tpu.memory_space<vmem>>, vector<16xf32>,
      %get3A_54 = vector.shape_cast %get3A_53 : vector<16xf32> to vector<16xf32>
      %rem3A_55 = arith.constant 16 : i32
      %rem3A_56 = arith.remsi %rem3A_20, %rem3A_55 : i32
      %sub3A_57 = arith.subi %rem3A_20, %rem3A_56 : i32
      %multiple_of3A_58 = tpu.assume_multiple %sub3A_57, 16 : i32
      %dma_wait3A_59 = arith.constant 0 : i32
      %dma_wait3A_60 = tpu.memref_slice %arg3[%dma_wait3A_59, %multiple_of3A] : memref<20x1000000xf32, #tpu.memory_space<hbm>> -> memref<20x128xf32, #tpu.memory_space<hbm>>
      %dma_wait3A_61 = arith.constant 0 : i32
      %dma_wait3A_62 = tpu.memref_slice %arg3[%dma_wait3A_61, %multiple_of3A] : memref<20x1000000xf32, #tpu.memory_space<hbm>> -> memref<20x128xf32, #tpu.memory_space<hbm>>
      tpu.wait_dma2 semaphore(%arg14 : memref<!tpu.dma_semaphore, #tpu.memory_space<semaphore_mem>>) src(%dma_wait3A_62 : memref<20x128xf32, #tpu.memory_space<hbm>>) dst(%arg11 : memref<20x128xf32, #tpu.memory_space<vmem>>)
      %slice3A_63 = vector.extract_strided_slice %sub3A_35 {offsets = [0], sizes = [1], strides = [1]} : vector<16xf32> to vector<1xf32>
      %squeeze3A_64 = vector.extract %slice3A_63[0] : f32 from vector<1xf32>
      %get3A_65 = arith.constant 0 : i32
      %get3A_66 = arith.index_cast %get3A_65 : i32 to index
      %get3A_67 = arith.index_cast %multiple_of3A_58 : i32 to index
      %get3A_68 = tpu.vector_load %arg11[%get3A_66, %get3A_67] {strides = array<i32>} : memref<20x128xf32, #tpu.memory_space<vmem>>, vector<1x16xf32>,
      %get3A_69 = vector.shape_cast %get3A_68 : vector<1x16xf32> to vector<16xf32>
      %mul3A_70 = vector.broadcast %squeeze3A_64 : f32 to vector<16xf32>
      %mul3A_71 = arith.mulf %get3A_69, %mul3A_70 : vector<16xf32>
      %add3A = arith.addf %broadcast_in_dim3A_2, %mul3A_71 : vector<16xf32>
      %slice3A_72 = vector.extract_strided_slice %sub3A_35 {offsets = [1], sizes = [1], strides = [1]} : vector<16xf32> to vector<1xf32>
      %squeeze3A_73 = vector.extract %slice3A_72[0] : f32 from vector<1xf32>
      %get3A_74 = arith.constant 1 : i32
      %get3A_75 = arith.index_cast %get3A_74 : i32 to index
      %get3A_76 = arith.index_cast %multiple_of3A_58 : i32 to index
      %get3A_77 = tpu.vector_load %arg11[%get3A_75, %get3A_76] {strides = array<i32>} : memref<20x128xf32, #tpu.memory_space<vmem>>, vector<1x16xf32>,
      %get3A_78 = vector.shape_cast %get3A_77 : vector<1x16xf32> to vector<16xf32>
      %mul3A_79 = vector.broadcast %squeeze3A_73 : f32 to vector<16xf32>
      %mul3A_80 = arith.mulf %get3A_78, %mul3A_79 : vector<16xf32>
      %add3A_81 = arith.addf %add3A, %mul3A_80 : vector<16xf32>
      %slice3A_82 = vector.extract_strided_slice %sub3A_35 {offsets = [2], sizes = [1], strides = [1]} : vector<16xf32> to vector<1xf32>
      %squeeze3A_83 = vector.extract %slice3A_82[0] : f32 from vector<1xf32>
      %get3A_84 = arith.constant 2 : i32
      %get3A_85 = arith.index_cast %get3A_84 : i32 to index
      %get3A_86 = arith.index_cast %multiple_of3A_58 : i32 to index
      %get3A_87 = tpu.vector_load %arg11[%get3A_85, %get3A_86] {strides = array<i32>} : memref<20x128xf32, #tpu.memory_space<vmem>>, vector<1x16xf32>,
      %get3A_88 = vector.shape_cast %get3A_87 : vector<1x16xf32> to vector<16xf32>
      %mul3A_89 = vector.broadcast %squeeze3A_83 : f32 to vector<16xf32>
      %mul3A_90 = arith.mulf %get3A_88, %mul3A_89 : vector<16xf32>
      %add3A_91 = arith.addf %add3A_81, %mul3A_90 : vector<16xf32>
      %slice3A_92 = vector.extract_strided_slice %sub3A_35 {offsets = [3], sizes = [1], strides = [1]} : vector<16xf32> to vector<1xf32>
      %squeeze3A_93 = vector.extract %slice3A_92[0] : f32 from vector<1xf32>
      %get3A_94 = arith.constant 3 : i32
      %get3A_95 = arith.index_cast %get3A_94 : i32 to index
      %get3A_96 = arith.index_cast %multiple_of3A_58 : i32 to index
      %get3A_97 = tpu.vector_load %arg11[%get3A_95, %get3A_96] {strides = array<i32>} : memref<20x128xf32, #tpu.memory_space<vmem>>, vector<1x16xf32>,
      %get3A_98 = vector.shape_cast %get3A_97 : vector<1x16xf32> to vector<16xf32>
      %mul3A_99 = vector.broadcast %squeeze3A_93 : f32 to vector<16xf32>
      %mul3A_100 = arith.mulf %get3A_98, %mul3A_99 : vector<16xf32>
      %add3A_101 = arith.addf %add3A_91, %mul3A_100 : vector<16xf32>
      %slice3A_102 = vector.extract_strided_slice %sub3A_35 {offsets = [4], sizes = [1], strides = [1]} : vector<16xf32> to vector<1xf32>
      %squeeze3A_103 = vector.extract %slice3A_102[0] : f32 from vector<1xf32>
      %get3A_104 = arith.constant 4 : i32
      %get3A_105 = arith.index_cast %get3A_104 : i32 to index
      %get3A_106 = arith.index_cast %multiple_of3A_58 : i32 to index
      %get3A_107 = tpu.vector_load %arg11[%get3A_105, %get3A_106] {strides = array<i32>} : memref<20x128xf32, #tpu.memory_space<vmem>>, vector<1x16xf32>,
      %get3A_108 = vector.shape_cast %get3A_107 : vector<1x16xf32> to vector<16xf32>
      %mul3A_109 = vector.broadcast %squeeze3A_103 : f32 to vector<16xf32>
      %mul3A_110 = arith.mulf %get3A_108, %mul3A_109 : vector<16xf32>
      %add3A_111 = arith.addf %add3A_101, %mul3A_110 : vector<16xf32>
      %slice3A_112 = vector.extract_strided_slice %sub3A_35 {offsets = [5], sizes = [1], strides = [1]} : vector<16xf32> to vector<1xf32>
      %squeeze3A_113 = vector.extract %slice3A_112[0] : f32 from vector<1xf32>
      %get3A_114 = arith.constant 5 : i32
      %get3A_115 = arith.index_cast %get3A_114 : i32 to index
      %get3A_116 = arith.index_cast %multiple_of3A_58 : i32 to index
      %get3A_117 = tpu.vector_load %arg11[%get3A_115, %get3A_116] {strides = array<i32>} : memref<20x128xf32, #tpu.memory_space<vmem>>, vector<1x16xf32>,
      %get3A_118 = vector.shape_cast %get3A_117 : vector<1x16xf32> to vector<16xf32>
      %mul3A_119 = vector.broadcast %squeeze3A_113 : f32 to vector<16xf32>
      %mul3A_120 = arith.mulf %get3A_118, %mul3A_119 : vector<16xf32>
      %add3A_121 = arith.addf %add3A_111, %mul3A_120 : vector<16xf32>
      %slice3A_122 = vector.extract_strided_slice %sub3A_35 {offsets = [6], sizes = [1], strides = [1]} : vector<16xf32> to vector<1xf32>
      %squeeze3A_123 = vector.extract %slice3A_122[0] : f32 from vector<1xf32>
      %get3A_124 = arith.constant 6 : i32
      %get3A_125 = arith.index_cast %get3A_124 : i32 to index
      %get3A_126 = arith.index_cast %multiple_of3A_58 : i32 to index
      %get3A_127 = tpu.vector_load %arg11[%get3A_125, %get3A_126] {strides = array<i32>} : memref<20x128xf32, #tpu.memory_space<vmem>>, vector<1x16xf32>,
      %get3A_128 = vector.shape_cast %get3A_127 : vector<1x16xf32> to vector<16xf32>
      %mul3A_129 = vector.broadcast %squeeze3A_123 : f32 to vector<16xf32>
      %mul3A_130 = arith.mulf %get3A_128, %mul3A_129 : vector<16xf32>
      %add3A_131 = arith.addf %add3A_121, %mul3A_130 : vector<16xf32>
      %slice3A_132 = vector.extract_strided_slice %sub3A_35 {offsets = [7], sizes = [1], strides = [1]} : vector<16xf32> to vector<1xf32>
      %squeeze3A_133 = vector.extract %slice3A_132[0] : f32 from vector<1xf32>
      %get3A_134 = arith.constant 7 : i32
      %get3A_135 = arith.index_cast %get3A_134 : i32 to index
      %get3A_136 = arith.index_cast %multiple_of3A_58 : i32 to index
      %get3A_137 = tpu.vector_load %arg11[%get3A_135, %get3A_136] {strides = array<i32>} : memref<20x128xf32, #tpu.memory_space<vmem>>, vector<1x16xf32>,
      %get3A_138 = vector.shape_cast %get3A_137 : vector<1x16xf32> to vector<16xf32>
      %mul3A_139 = vector.broadcast %squeeze3A_133 : f32 to vector<16xf32>
      %mul3A_140 = arith.mulf %get3A_138, %mul3A_139 : vector<16xf32>
      %add3A_141 = arith.addf %add3A_131, %mul3A_140 : vector<16xf32>
      %slice3A_142 = vector.extract_strided_slice %sub3A_35 {offsets = [8], sizes = [1], strides = [1]} : vector<16xf32> to vector<1xf32>
      %squeeze3A_143 = vector.extract %slice3A_142[0] : f32 from vector<1xf32>
      %get3A_144 = arith.constant 8 : i32
      %get3A_145 = arith.index_cast %get3A_144 : i32 to index
      %get3A_146 = arith.index_cast %multiple_of3A_58 : i32 to index
      %get3A_147 = tpu.vector_load %arg11[%get3A_145, %get3A_146] {strides = array<i32>} : memref<20x128xf32, #tpu.memory_space<vmem>>, vector<1x16xf32>,
      %get3A_148 = vector.shape_cast %get3A_147 : vector<1x16xf32> to vector<16xf32>
      %mul3A_149 = vector.broadcast %squeeze3A_143 : f32 to vector<16xf32>
      %mul3A_150 = arith.mulf %get3A_148, %mul3A_149 : vector<16xf32>
      %add3A_151 = arith.addf %add3A_141, %mul3A_150 : vector<16xf32>
      %slice3A_152 = vector.extract_strided_slice %sub3A_35 {offsets = [9], sizes = [1], strides = [1]} : vector<16xf32> to vector<1xf32>
      %squeeze3A_153 = vector.extract %slice3A_152[0] : f32 from vector<1xf32>
      %get3A_154 = arith.constant 9 : i32
      %get3A_155 = arith.index_cast %get3A_154 : i32 to index
      %get3A_156 = arith.index_cast %multiple_of3A_58 : i32 to index
      %get3A_157 = tpu.vector_load %arg11[%get3A_155, %get3A_156] {strides = array<i32>} : memref<20x128xf32, #tpu.memory_space<vmem>>, vector<1x16xf32>,
      %get3A_158 = vector.shape_cast %get3A_157 : vector<1x16xf32> to vector<16xf32>
      %mul3A_159 = vector.broadcast %squeeze3A_153 : f32 to vector<16xf32>
      %mul3A_160 = arith.mulf %get3A_158, %mul3A_159 : vector<16xf32>
      %add3A_161 = arith.addf %add3A_151, %mul3A_160 : vector<16xf32>
      %slice3A_162 = vector.extract_strided_slice %sub3A_35 {offsets = [10], sizes = [1], strides = [1]} : vector<16xf32> to vector<1xf32>
      %squeeze3A_163 = vector.extract %slice3A_162[0] : f32 from vector<1xf32>
      %get3A_164 = arith.constant 10 : i32
      %get3A_165 = arith.index_cast %get3A_164 : i32 to index
      %get3A_166 = arith.index_cast %multiple_of3A_58 : i32 to index
      %get3A_167 = tpu.vector_load %arg11[%get3A_165, %get3A_166] {strides = array<i32>} : memref<20x128xf32, #tpu.memory_space<vmem>>, vector<1x16xf32>,
      %get3A_168 = vector.shape_cast %get3A_167 : vector<1x16xf32> to vector<16xf32>
      %mul3A_169 = vector.broadcast %squeeze3A_163 : f32 to vector<16xf32>
      %mul3A_170 = arith.mulf %get3A_168, %mul3A_169 : vector<16xf32>
      %add3A_171 = arith.addf %add3A_161, %mul3A_170 : vector<16xf32>
      %slice3A_172 = vector.extract_strided_slice %sub3A_35 {offsets = [11], sizes = [1], strides = [1]} : vector<16xf32> to vector<1xf32>
      %squeeze3A_173 = vector.extract %slice3A_172[0] : f32 from vector<1xf32>
      %get3A_174 = arith.constant 11 : i32
      %get3A_175 = arith.index_cast %get3A_174 : i32 to index
      %get3A_176 = arith.index_cast %multiple_of3A_58 : i32 to index
      %get3A_177 = tpu.vector_load %arg11[%get3A_175, %get3A_176] {strides = array<i32>} : memref<20x128xf32, #tpu.memory_space<vmem>>, vector<1x16xf32>,
      %get3A_178 = vector.shape_cast %get3A_177 : vector<1x16xf32> to vector<16xf32>
      %mul3A_179 = vector.broadcast %squeeze3A_173 : f32 to vector<16xf32>
      %mul3A_180 = arith.mulf %get3A_178, %mul3A_179 : vector<16xf32>
      %add3A_181 = arith.addf %add3A_171, %mul3A_180 : vector<16xf32>
      %slice3A_182 = vector.extract_strided_slice %sub3A_35 {offsets = [12], sizes = [1], strides = [1]} : vector<16xf32> to vector<1xf32>
      %squeeze3A_183 = vector.extract %slice3A_182[0] : f32 from vector<1xf32>
      %get3A_184 = arith.constant 12 : i32
      %get3A_185 = arith.index_cast %get3A_184 : i32 to index
      %get3A_186 = arith.index_cast %multiple_of3A_58 : i32 to index
      %get3A_187 = tpu.vector_load %arg11[%get3A_185, %get3A_186] {strides = array<i32>} : memref<20x128xf32, #tpu.memory_space<vmem>>, vector<1x16xf32>,
      %get3A_188 = vector.shape_cast %get3A_187 : vector<1x16xf32> to vector<16xf32>
      %mul3A_189 = vector.broadcast %squeeze3A_183 : f32 to vector<16xf32>
      %mul3A_190 = arith.mulf %get3A_188, %mul3A_189 : vector<16xf32>
      %add3A_191 = arith.addf %add3A_181, %mul3A_190 : vector<16xf32>
      %slice3A_192 = vector.extract_strided_slice %sub3A_35 {offsets = [13], sizes = [1], strides = [1]} : vector<16xf32> to vector<1xf32>
      %squeeze3A_193 = vector.extract %slice3A_192[0] : f32 from vector<1xf32>
      %get3A_194 = arith.constant 13 : i32
      %get3A_195 = arith.index_cast %get3A_194 : i32 to index
      %get3A_196 = arith.index_cast %multiple_of3A_58 : i32 to index
      %get3A_197 = tpu.vector_load %arg11[%get3A_195, %get3A_196] {strides = array<i32>} : memref<20x128xf32, #tpu.memory_space<vmem>>, vector<1x16xf32>,
      %get3A_198 = vector.shape_cast %get3A_197 : vector<1x16xf32> to vector<16xf32>
      %mul3A_199 = vector.broadcast %squeeze3A_193 : f32 to vector<16xf32>
      %mul3A_200 = arith.mulf %get3A_198, %mul3A_199 : vector<16xf32>
      %add3A_201 = arith.addf %add3A_191, %mul3A_200 : vector<16xf32>
      %slice3A_202 = vector.extract_strided_slice %sub3A_35 {offsets = [14], sizes = [1], strides = [1]} : vector<16xf32> to vector<1xf32>
      %squeeze3A_203 = vector.extract %slice3A_202[0] : f32 from vector<1xf32>
      %get3A_204 = arith.constant 14 : i32
      %get3A_205 = arith.index_cast %get3A_204 : i32 to index
      %get3A_206 = arith.index_cast %multiple_of3A_58 : i32 to index
      %get3A_207 = tpu.vector_load %arg11[%get3A_205, %get3A_206] {strides = array<i32>} : memref<20x128xf32, #tpu.memory_space<vmem>>, vector<1x16xf32>,
      %get3A_208 = vector.shape_cast %get3A_207 : vector<1x16xf32> to vector<16xf32>
      %mul3A_209 = vector.broadcast %squeeze3A_203 : f32 to vector<16xf32>
      %mul3A_210 = arith.mulf %get3A_208, %mul3A_209 : vector<16xf32>
      %add3A_211 = arith.addf %add3A_201, %mul3A_210 : vector<16xf32>
      %slice3A_212 = vector.extract_strided_slice %sub3A_35 {offsets = [15], sizes = [1], strides = [1]} : vector<16xf32> to vector<1xf32>
      %squeeze3A_213 = vector.extract %slice3A_212[0] : f32 from vector<1xf32>
      %get3A_214 = arith.constant 15 : i32
      %get3A_215 = arith.index_cast %get3A_214 : i32 to index
      %get3A_216 = arith.index_cast %multiple_of3A_58 : i32 to index
      %get3A_217 = tpu.vector_load %arg11[%get3A_215, %get3A_216] {strides = array<i32>} : memref<20x128xf32, #tpu.memory_space<vmem>>, vector<1x16xf32>,
      %get3A_218 = vector.shape_cast %get3A_217 : vector<1x16xf32> to vector<16xf32>
      %mul3A_219 = vector.broadcast %squeeze3A_213 : f32 to vector<16xf32>
      %mul3A_220 = arith.mulf %get3A_218, %mul3A_219 : vector<16xf32>
      %add3A_221 = arith.addf %add3A_211, %mul3A_220 : vector<16xf32>
      %slice3A_222 = vector.extract_strided_slice %select_n3A {offsets = [12], sizes = [1], strides = [1]} : vector<16xf32> to vector<1xf32>
      %squeeze3A_223 = vector.extract %slice3A_222[0] : f32 from vector<1xf32>
      %get3A_224 = arith.constant 16 : i32
      %get3A_225 = arith.index_cast %get3A_224 : i32 to index
      %get3A_226 = arith.index_cast %multiple_of3A_58 : i32 to index
      %get3A_227 = tpu.vector_load %arg11[%get3A_225, %get3A_226] {strides = array<i32>} : memref<20x128xf32, #tpu.memory_space<vmem>>, vector<1x16xf32>,
      %get3A_228 = vector.shape_cast %get3A_227 : vector<1x16xf32> to vector<16xf32>
      %mul3A_229 = vector.broadcast %squeeze3A_223 : f32 to vector<16xf32>
      %mul3A_230 = arith.mulf %get3A_228, %mul3A_229 : vector<16xf32>
      %add3A_231 = arith.addf %add3A_221, %mul3A_230 : vector<16xf32>
      %slice3A_232 = vector.extract_strided_slice %select_n3A {offsets = [13], sizes = [1], strides = [1]} : vector<16xf32> to vector<1xf32>
      %squeeze3A_233 = vector.extract %slice3A_232[0] : f32 from vector<1xf32>
      %get3A_234 = arith.constant 17 : i32
      %get3A_235 = arith.index_cast %get3A_234 : i32 to index
      %get3A_236 = arith.index_cast %multiple_of3A_58 : i32 to index
      %get3A_237 = tpu.vector_load %arg11[%get3A_235, %get3A_236] {strides = array<i32>} : memref<20x128xf32, #tpu.memory_space<vmem>>, vector<1x16xf32>,
      %get3A_238 = vector.shape_cast %get3A_237 : vector<1x16xf32> to vector<16xf32>
      %mul3A_239 = vector.broadcast %squeeze3A_233 : f32 to vector<16xf32>
      %mul3A_240 = arith.mulf %get3A_238, %mul3A_239 : vector<16xf32>
      %add3A_241 = arith.addf %add3A_231, %mul3A_240 : vector<16xf32>
      %slice3A_242 = vector.extract_strided_slice %select_n3A {offsets = [14], sizes = [1], strides = [1]} : vector<16xf32> to vector<1xf32>
      %squeeze3A_243 = vector.extract %slice3A_242[0] : f32 from vector<1xf32>
      %get3A_244 = arith.constant 18 : i32
      %get3A_245 = arith.index_cast %get3A_244 : i32 to index
      %get3A_246 = arith.index_cast %multiple_of3A_58 : i32 to index
      %get3A_247 = tpu.vector_load %arg11[%get3A_245, %get3A_246] {strides = array<i32>} : memref<20x128xf32, #tpu.memory_space<vmem>>, vector<1x16xf32>,
      %get3A_248 = vector.shape_cast %get3A_247 : vector<1x16xf32> to vector<16xf32>
      %mul3A_249 = vector.broadcast %squeeze3A_243 : f32 to vector<16xf32>
      %mul3A_250 = arith.mulf %get3A_248, %mul3A_249 : vector<16xf32>
      %add3A_251 = arith.addf %add3A_241, %mul3A_250 : vector<16xf32>
      %slice3A_252 = vector.extract_strided_slice %select_n3A {offsets = [15], sizes = [1], strides = [1]} : vector<16xf32> to vector<1xf32>
      %squeeze3A_253 = vector.extract %slice3A_252[0] : f32 from vector<1xf32>
      %get3A_254 = arith.constant 19 : i32
      %get3A_255 = arith.index_cast %get3A_254 : i32 to index
      %get3A_256 = arith.index_cast %multiple_of3A_58 : i32 to index
      %get3A_257 = tpu.vector_load %arg11[%get3A_255, %get3A_256] {strides = array<i32>} : memref<20x128xf32, #tpu.memory_space<vmem>>, vector<1x16xf32>,
      %get3A_258 = vector.shape_cast %get3A_257 : vector<1x16xf32> to vector<16xf32>
      %mul3A_259 = vector.broadcast %squeeze3A_253 : f32 to vector<16xf32>
      %mul3A_260 = arith.mulf %get3A_258, %mul3A_259 : vector<16xf32>
      %add3A_261 = arith.addf %add3A_251, %mul3A_260 : vector<16xf32>
      %mul3A_262 = arith.constant 0 : i32
      %mul3A_263 = vector.broadcast %mul3A_262 : i32 to vector<16xi32>
      %mul3A_264 = arith.muli %iota3A, %mul3A_263 : vector<16xi32>
      %add3A_265 = vector.broadcast %rem3A_56 : i32 to vector<16xi32>
      %add3A_266 = arith.addi %mul3A_264, %add3A_265 : vector<16xi32>
      %lt3A = arith.constant 0 : i32
      %lt3A_267 = vector.broadcast %lt3A : i32 to vector<16xi32>
      %lt3A_268 = arith.cmpi slt, %add3A_266, %lt3A_267 : vector<16xi32>
      %add3A_269 = arith.constant 16 : i32
      %add3A_270 = vector.broadcast %add3A_269 : i32 to vector<16xi32>
      %add3A_271 = arith.addi %add3A_266, %add3A_270 : vector<16xi32>
      %select_n3A_272 = arith.select %lt3A_268, %add3A_271, %add3A_266 : vector<16xi1>, vector<16xi32>
      %broadcast_in_dim3A_273 = vector.shape_cast %select_n3A_272 : vector<16xi32> to vector<16x1xi32>
      %gather3A = vector.shape_cast %broadcast_in_dim3A_273 : vector<16x1xi32> to vector<16xi32>
      %gather3A_274 = tpu.dynamic_gather %add3A_261[%gather3A] in [0] : vector<16xf32>, vector<16xi32> -> vector<16xf32>
      %slice3A_275 = vector.extract_strided_slice %get3A_54 {offsets = [1], sizes = [1], strides = [1]} : vector<16xf32> to vector<1xf32>
      %squeeze3A_276 = vector.extract %slice3A_275[0] : f32 from vector<1xf32>
      %slice3A_277 = vector.extract_strided_slice %get3A_54 {offsets = [0], sizes = [1], strides = [1]} : vector<16xf32> to vector<1xf32>
      %squeeze3A_278 = vector.extract %slice3A_277[0] : f32 from vector<1xf32>
      %sub3A_279 = arith.subf %squeeze3A_276, %squeeze3A_278 : f32
      %add3A_280 = vector.broadcast %sub3A_279 : f32 to vector<16xf32>
      %add3A_281 = arith.addf %gather3A_274, %add3A_280 : vector<16xf32>
      %eq3A_282 = arith.constant 0 : i32
      %eq3A_283 = vector.broadcast %eq3A_282 : i32 to vector<16xi32>
      %eq3A_284 = arith.cmpi eq, %iota3A, %eq3A_283 : vector<16xi32>
      %neg3A = arith.constant 0.000000e+00 : f32
      %neg3A_285 = vector.broadcast %neg3A : f32 to vector<16xf32>
      %neg3A_286 = arith.subf %neg3A_285, %add3A_281 : vector<16xf32>
      %select_n3A_287 = arith.select %eq3A_284, %add3A_281, %neg3A_286 : vector<16xi1>, vector<16xf32>
      %abs3A = math.absf %select_n3A_287 : vector<16xf32>
      %min3A_288 = arith.constant 1.600000e+01 : f32
      %min3A_289 = vector.broadcast %min3A_288 : f32 to vector<16xf32>
      %min3A_290 = arith.minimumf %abs3A, %min3A_289 : vector<16xf32>
      %mul3A_291 = arith.constant 1.250000e-01 : f32
      %mul3A_292 = vector.broadcast %mul3A_291 : f32 to vector<16xf32>
      %mul3A_293 = arith.mulf %min3A_290, %mul3A_292 : vector<16xf32>
      %sub3A_294 = arith.constant 1.000000e+00 : f32
      %sub3A_295 = vector.broadcast %sub3A_294 : f32 to vector<16xf32>
      %sub3A_296 = arith.subf %mul3A_293, %sub3A_295 : vector<16xf32>
      %broadcast_in_dim3A_297 = arith.constant 2.755732E-7 : f32
      %broadcast_in_dim3A_298 = vector.broadcast %broadcast_in_dim3A_297 : f32 to vector<16xf32>
      %neg3A_299 = arith.constant 0.000000e+00 : f32
      %neg3A_300 = vector.broadcast %neg3A_299 : f32 to vector<16xf32>
      %neg3A_301 = arith.subf %neg3A_300, %sub3A_296 : vector<16xf32>
      %mul3A_302 = arith.mulf %broadcast_in_dim3A_298, %neg3A_301 : vector<16xf32>
      %add3A_303 = arith.constant 2.75573188E-6 : f32
      %add3A_304 = vector.broadcast %add3A_303 : f32 to vector<16xf32>
      %add3A_305 = arith.addf %mul3A_302, %add3A_304 : vector<16xf32>
      %neg3A_306 = arith.constant 0.000000e+00 : f32
      %neg3A_307 = vector.broadcast %neg3A_306 : f32 to vector<16xf32>
      %neg3A_308 = arith.subf %neg3A_307, %sub3A_296 : vector<16xf32>
      %mul3A_309 = arith.mulf %add3A_305, %neg3A_308 : vector<16xf32>
      %add3A_310 = arith.constant 2.48015876E-5 : f32
      %add3A_311 = vector.broadcast %add3A_310 : f32 to vector<16xf32>
      %add3A_312 = arith.addf %mul3A_309, %add3A_311 : vector<16xf32>
      %neg3A_313 = arith.constant 0.000000e+00 : f32
      %neg3A_314 = vector.broadcast %neg3A_313 : f32 to vector<16xf32>
      %neg3A_315 = arith.subf %neg3A_314, %sub3A_296 : vector<16xf32>
      %mul3A_316 = arith.mulf %add3A_312, %neg3A_315 : vector<16xf32>
      %add3A_317 = arith.constant 1.98412701E-4 : f32
      %add3A_318 = vector.broadcast %add3A_317 : f32 to vector<16xf32>
      %add3A_319 = arith.addf %mul3A_316, %add3A_318 : vector<16xf32>
      %neg3A_320 = arith.constant 0.000000e+00 : f32
      %neg3A_321 = vector.broadcast %neg3A_320 : f32 to vector<16xf32>
      %neg3A_322 = arith.subf %neg3A_321, %sub3A_296 : vector<16xf32>
      %mul3A_323 = arith.mulf %add3A_319, %neg3A_322 : vector<16xf32>
      %add3A_324 = arith.constant 0.00138888892 : f32
      %add3A_325 = vector.broadcast %add3A_324 : f32 to vector<16xf32>
      %add3A_326 = arith.addf %mul3A_323, %add3A_325 : vector<16xf32>
      %neg3A_327 = arith.constant 0.000000e+00 : f32
      %neg3A_328 = vector.broadcast %neg3A_327 : f32 to vector<16xf32>
      %neg3A_329 = arith.subf %neg3A_328, %sub3A_296 : vector<16xf32>
      %mul3A_330 = arith.mulf %add3A_326, %neg3A_329 : vector<16xf32>
      %add3A_331 = arith.constant 0.00833333377 : f32
      %add3A_332 = vector.broadcast %add3A_331 : f32 to vector<16xf32>
      %add3A_333 = arith.addf %mul3A_330, %add3A_332 : vector<16xf32>
      %neg3A_334 = arith.constant 0.000000e+00 : f32
      %neg3A_335 = vector.broadcast %neg3A_334 : f32 to vector<16xf32>
      %neg3A_336 = arith.subf %neg3A_335, %sub3A_296 : vector<16xf32>
      %mul3A_337 = arith.mulf %add3A_333, %neg3A_336 : vector<16xf32>
      %add3A_338 = arith.constant 0.0416666679 : f32
      %add3A_339 = vector.broadcast %add3A_338 : f32 to vector<16xf32>
      %add3A_340 = arith.addf %mul3A_337, %add3A_339 : vector<16xf32>
      %neg3A_341 = arith.constant 0.000000e+00 : f32
      %neg3A_342 = vector.broadcast %neg3A_341 : f32 to vector<16xf32>
      %neg3A_343 = arith.subf %neg3A_342, %sub3A_296 : vector<16xf32>
      %mul3A_344 = arith.mulf %add3A_340, %neg3A_343 : vector<16xf32>
      %add3A_345 = arith.constant 0.166666672 : f32
      %add3A_346 = vector.broadcast %add3A_345 : f32 to vector<16xf32>
      %add3A_347 = arith.addf %mul3A_344, %add3A_346 : vector<16xf32>
      %neg3A_348 = arith.constant 0.000000e+00 : f32
      %neg3A_349 = vector.broadcast %neg3A_348 : f32 to vector<16xf32>
      %neg3A_350 = arith.subf %neg3A_349, %sub3A_296 : vector<16xf32>
      %mul3A_351 = arith.mulf %add3A_347, %neg3A_350 : vector<16xf32>
      %add3A_352 = arith.constant 5.000000e-01 : f32
      %add3A_353 = vector.broadcast %add3A_352 : f32 to vector<16xf32>
      %add3A_354 = arith.addf %mul3A_351, %add3A_353 : vector<16xf32>
      %neg3A_355 = arith.constant 0.000000e+00 : f32
      %neg3A_356 = vector.broadcast %neg3A_355 : f32 to vector<16xf32>
      %neg3A_357 = arith.subf %neg3A_356, %sub3A_296 : vector<16xf32>
      %mul3A_358 = arith.mulf %add3A_354, %neg3A_357 : vector<16xf32>
      %add3A_359 = arith.constant 1.000000e+00 : f32
      %add3A_360 = vector.broadcast %add3A_359 : f32 to vector<16xf32>
      %add3A_361 = arith.addf %mul3A_358, %add3A_360 : vector<16xf32>
      %neg3A_362 = arith.constant 0.000000e+00 : f32
      %neg3A_363 = vector.broadcast %neg3A_362 : f32 to vector<16xf32>
      %neg3A_364 = arith.subf %neg3A_363, %sub3A_296 : vector<16xf32>
      %mul3A_365 = arith.mulf %add3A_361, %neg3A_364 : vector<16xf32>
      %add3A_366 = arith.constant 1.000000e+00 : f32
      %add3A_367 = vector.broadcast %add3A_366 : f32 to vector<16xf32>
      %add3A_368 = arith.addf %mul3A_365, %add3A_367 : vector<16xf32>
      %mul3A_369 = arith.constant 0.36787945 : f32
      %mul3A_370 = vector.broadcast %mul3A_369 : f32 to vector<16xf32>
      %mul3A_371 = arith.mulf %add3A_368, %mul3A_370 : vector<16xf32>
      %mul3A_372 = arith.mulf %mul3A_371, %mul3A_371 : vector<16xf32>
      %mul3A_373 = arith.mulf %mul3A_372, %mul3A_372 : vector<16xf32>
      %mul3A_374 = arith.mulf %mul3A_373, %mul3A_373 : vector<16xf32>
      %add3A_375 = arith.constant 2.000000e+00 : f32
      %add3A_376 = vector.broadcast %add3A_375 : f32 to vector<16xf32>
      %add3A_377 = arith.addf %add3A_376, %mul3A_374 : vector<16xf32>
      %mul3A_378 = arith.constant 1.575000e-01 : f32
      %mul3A_379 = vector.broadcast %mul3A_378 : f32 to vector<16xf32>
      %mul3A_380 = arith.mulf %mul3A_379, %mul3A_374 : vector<16xf32>
      %sub3A_381 = arith.constant 4.925000e-01 : f32
      %sub3A_382 = vector.broadcast %sub3A_381 : f32 to vector<16xf32>
      %sub3A_383 = arith.subf %sub3A_382, %mul3A_380 : vector<16xf32>
      %mul3A_384 = arith.mulf %add3A_377, %sub3A_383 : vector<16xf32>
      %sub3A_385 = arith.constant 2.000000e+00 : f32
      %sub3A_386 = vector.broadcast %sub3A_385 : f32 to vector<16xf32>
      %sub3A_387 = arith.subf %sub3A_386, %mul3A_384 : vector<16xf32>
      %mul3A_388 = arith.mulf %sub3A_383, %sub3A_387 : vector<16xf32>
      %mul3A_389 = arith.mulf %add3A_377, %mul3A_388 : vector<16xf32>
      %sub3A_390 = arith.constant 2.000000e+00 : f32
      %sub3A_391 = vector.broadcast %sub3A_390 : f32 to vector<16xf32>
      %sub3A_392 = arith.subf %sub3A_391, %mul3A_389 : vector<16xf32>
      %mul3A_393 = arith.mulf %mul3A_388, %sub3A_392 : vector<16xf32>
      %mul3A_394 = arith.mulf %add3A_377, %mul3A_393 : vector<16xf32>
      %sub3A_395 = arith.constant 2.000000e+00 : f32
      %sub3A_396 = vector.broadcast %sub3A_395 : f32 to vector<16xf32>
      %sub3A_397 = arith.subf %sub3A_396, %mul3A_394 : vector<16xf32>
      %mul3A_398 = arith.mulf %mul3A_393, %sub3A_397 : vector<16xf32>
      %mul3A_399 = arith.mulf %mul3A_374, %mul3A_398 : vector<16xf32>
      %mul3A_400 = arith.mulf %mul3A_399, %mul3A_399 : vector<16xf32>
      %mul3A_401 = arith.constant 0.111111112 : f32
      %mul3A_402 = vector.broadcast %mul3A_401 : f32 to vector<16xf32>
      %mul3A_403 = arith.mulf %mul3A_402, %mul3A_400 : vector<16xf32>
      %add3A_404 = arith.constant 0.142857149 : f32
      %add3A_405 = vector.broadcast %add3A_404 : f32 to vector<16xf32>
      %add3A_406 = arith.addf %mul3A_403, %add3A_405 : vector<16xf32>
      %mul3A_407 = arith.mulf %add3A_406, %mul3A_400 : vector<16xf32>
      %add3A_408 = arith.constant 2.000000e-01 : f32
      %add3A_409 = vector.broadcast %add3A_408 : f32 to vector<16xf32>
      %add3A_410 = arith.addf %mul3A_407, %add3A_409 : vector<16xf32>
      %mul3A_411 = arith.mulf %add3A_410, %mul3A_400 : vector<16xf32>
      %add3A_412 = arith.constant 0.333333343 : f32
      %add3A_413 = vector.broadcast %add3A_412 : f32 to vector<16xf32>
      %add3A_414 = arith.addf %mul3A_411, %add3A_413 : vector<16xf32>
      %mul3A_415 = arith.mulf %add3A_414, %mul3A_400 : vector<16xf32>
      %add3A_416 = arith.constant 1.000000e+00 : f32
      %add3A_417 = vector.broadcast %add3A_416 : f32 to vector<16xf32>
      %add3A_418 = arith.addf %mul3A_415, %add3A_417 : vector<16xf32>
      %max3A = arith.constant 0.000000e+00 : f32
      %max3A_419 = vector.broadcast %max3A : f32 to vector<16xf32>
      %max3A_420 = arith.maximumf %select_n3A_287, %max3A_419 : vector<16xf32>
      %mul3A_421 = arith.constant 2.000000e+00 : f32
      %mul3A_422 = vector.broadcast %mul3A_421 : f32 to vector<16xf32>
      %mul3A_423 = arith.mulf %mul3A_422, %mul3A_399 : vector<16xf32>
      %mul3A_424 = arith.mulf %mul3A_423, %add3A_418 : vector<16xf32>
      %add3A_425 = arith.addf %max3A_420, %mul3A_424 : vector<16xf32>
      %neg3A_426 = arith.constant 0.000000e+00 : f32
      %neg3A_427 = vector.broadcast %neg3A_426 : f32 to vector<16xf32>
      %neg3A_428 = arith.subf %neg3A_427, %add3A_425 : vector<16xf32>
      %swap3A_429 = arith.constant 0 : i32
      %swap3A_430 = arith.index_cast %swap3A_429 : i32 to index
      %swap3A_431 = arith.constant 0 : index
      %swap3A_432 = tpu.vector_load %arg13[%swap3A_430, %swap3A_431] {strides = array<i32>} : memref<1x16xf32, #tpu.memory_space<vmem>>, vector<1x16xf32>,
      %swap3A_433 = vector.shape_cast %swap3A_432 : vector<1x16xf32> to vector<16xf32>
      %swap3A_434 = vector.shape_cast %neg3A_428 : vector<16xf32> to vector<1x16xf32>
      tpu.vector_store %arg13[%swap3A_430, %swap3A_431], %swap3A_434 {strides = array<i32>} : memref<1x16xf32, #tpu.memory_space<vmem>>, vector<1x16xf32>,
      "tpu.region"() ({
        %run_scoped3A = tpu.sem_alloc : memref<!tpu.dma_semaphore, #tpu.memory_space<semaphore_mem>>
        tpu.enqueue_dma source(%arg13 : memref<1x16xf32, #tpu.memory_space<vmem>>) target(%arg6 : memref<1x16xf32, #tpu.memory_space<hbm>>) target_semaphore(%run_scoped3A : memref<!tpu.dma_semaphore, #tpu.memory_space<semaphore_mem>>)
        tpu.wait_dma2 semaphore(%run_scoped3A : memref<!tpu.dma_semaphore, #tpu.memory_space<semaphore_mem>>) src(%arg13 : memref<1x16xf32, #tpu.memory_space<vmem>>) dst(%arg6 : memref<1x16xf32, #tpu.memory_space<hbm>>)
        tpu.yield
      }) : () -> ()
    } else {
    }
    return
  }
}

</mosaic_0001>

<sc_bundles>
// kernel: kernel.3.cloned.1.call-start
scs
__scs_entry_jumppad:
0x0: {  	(pc) =	sbr.rel $0x88, $3  }
0x1: {  	(tag) =	ssettag $0x0;
	lr =	simm.s32 $0x1  }
0x2: {  	[smem:$0x3F9D] =	sst lr;
	_ =	strace $0xD0000000  }
0x3: {  	_ = 	snop  }
0x4: {  	_ = 	snop  }
0x5: {  	_ = 	snop  }
0x6: {  	_ = 	snop  }
0x7: {  	_ = 	snop  }
__scs_overlays_trampoline_lowered:
0x8: {  	[smem:$0x3FAC] =	sst s0  }
0x9: {  	[smem:$0x3FAD] =	sst s1  }
0xa: {  	[smem:$0x3FAE] =	sst s2  }
0xb: {  	[smem:$0x3FAF] =	sst s3  }
0xc: {  	[smem:$0x3FB0] =	sst s4  }
0xd: {  	[smem:$0x3FB1] =	sst s5  }
0xe: {  	[smem:$0x3FB2] =	sst s6  }
0xf: {  	[smem:$0x3FB3] =	sst s7  }
0x10: {  	[smem:$0x3FB4] =	sst s8  }
0x11: {  	[smem:$0x3FB5] =	sst s9;
	s0 =	simm.s32 @!p0 $0x0  }
0x12: {  	s1 =	sld [smem:$0x3F9B];
	s0 =	simm.s32 @p0 $0x1  }
0x13: {  	[smem:$0x3FB6] =	sst s0;
	s0 =	simm.s32 @!p1 $0x0  }
0x14: {  	s2 =	sld [smem:$0x3F9A];
	s0 =	simm.s32 @p1 $0x1  }
0x15: {  	[smem:$0x3FB7] =	sst s0;
	s0 =	simm.s32 @!p2 $0x0  }
0x16: {  	s3 =	sld [smem:$0x3FDB];
	s0 =	simm.s32 @p2 $0x1  }
0x17: {  	s4 =	simm.s32 $0x1BF5;
	[smem:$0x3FB9] =	sst s0  }
0x18: {  	s0 =	sld [smem:$0x3F9C];
	_ =	swait.ge [sflag:s4], $0x0  }
0x19: {  	s7 =	sld [smem:$0x3F9D]  }
0x1a: {  	s8 =	sadd.s32 $0xFFFFE003, lr  }
0x1b: {  	s9 =	sadd.s32 $0xFFFFFEF7, lr;
	s5 =	simm.s32 $0xFFFFFFFF;
	p2 =	slt.u32 s8, $0xFFFFF086  }
0x1c: {  	p1 =	slt.u32 s9, $0xF7A;
	s5 =	simm.s32 @!p2 $0x0  }
0x1d: {  	s5 =	simm.s32 @p1 $0x1;
	p0 =	seq.s32 s7, s2  }
0x1e: {  	s7 =	smul.u32 @!p0 $0xF7A, s2;
	p2 =	seq.s32 @!p0 s5, $0x0  }
0x1f: {  	s9 =	smul.u32 $0xF7A, s1;
	s8 =	simm.s32 @!p0 $0x1BF5;
	p2 =	por !p2, p0  }
0x20: {  	[sflag:s8] =	ssyncset.s32 @!p0 $0xFFFFF086;
	s6 =	sadd.s32 @!p0 s3, s7;
	s7 =	simm.s32 @!p0 $0x108  }
0x21: {  	s3 =	sadd.s32 s3, s9;
	s6 =	sadd.s32 @!p0 $0x88, s6;
	s7 =	simm.s32 @p2 $0x1082  }
0x22: {  	[simem:s7], [sflag:s8] =	dma.local @!p0 [hbm:s6], $0xF7A  }
0x23: {  	s9 =	sor.u32 $0xD0000000, s2;
	s6 =	simm.s32 $0x108;
	_ =	swait.ge @!p0 [sflag:s8], $0x0  }
0x24: {  	s3 =	sadd.s32 $0x88, s3;
	s6 =	simm.s32 @!p1 $0x1082;
	[sflag:s4] =	ssyncset.s32 $0xFFFFF086  }
0x25: {  	[simem:s6], [sflag:s4] =	dma.local [hbm:s3], $0xF7A  }
0x26: {  	[smem:$0x3F9D] =	sst s1;
	(tag) =	ssettag s2;
	_ =	strace s9  }
0x27: {  	s1 =	sld [smem:$0x3FAD]  }
0x28: {  	s2 =	sld [smem:$0x3FAE]  }
0x29: {  	s4 =	sld [smem:$0x3FB0]  }
0x2a: {  	p0 =	seq.s32 s5, $0x0;
	s5 =	sld [smem:$0x3FB1]  }
0x2b: {  	s6 =	sld [smem:$0x3FB2]  }
0x2c: {  	s7 =	sld [smem:$0x3FB3]  }
0x2d: {  	s3 =	simm.s32 $0x108;
	s8 =	sld [smem:$0x3FB4]  }
0x2e: {  	s3 =	simm.s32 @!p0 $0x1082;
	s9 =	sld [smem:$0x3FB5]  }
0x2f: {  	lr =	sadd.s32 s0, s3;
	s0 =	sld [smem:$0x3FAC]  }
0x30: {  	s3 =	sld [smem:$0x3FAF]  }
0x31: {  	[smem:$0x3FB8] =	sst s10  }
0x32: {  	s10 =	sld [smem:$0x3FB6];
	_ =	sdelay $0x3  }
0x33: {  	p0 =	seq.s32 s10, $0x1;
	s10 =	sld [smem:$0x3FB8];
	_ =	sdelay $0x3  }
0x34: {  	[smem:$0x3FB8] =	sst s10  }
0x35: {  	s10 =	sld [smem:$0x3FB7];
	_ =	sdelay $0x3  }
0x36: {  	p1 =	seq.s32 s10, $0x1;
	s10 =	sld [smem:$0x3FB8];
	_ =	sdelay $0x3  }
0x37: {  	[smem:$0x3FB8] =	sst s10  }
0x38: {  	s10 =	sld [smem:$0x3FB9]  }
0x39: {  	_ = 	snop;
	(pc) =	sbr.ind lr, $3  }
0x3a: {  	_ = 	snop  }
0x3b: {  	_ = 	snop  }
0x3c: {  	p2 =	seq.s32 s10, $0x1;
	s10 =	sld [smem:$0x3FB8]  }
0x3d: {  	_ =	shalt  }
0x3e: {  	_ =	shalt  }
0x3f: {  	_ =	shalt  }
0x40: {  	_ =	shalt  }
0x41: {  	_ =	shalt  }
0x42: {  	_ =	shalt  }
0x43: {  	_ =	shalt  }
0x44: {  	_ =	shalt  }
0x45: {  	_ =	shalt  }
0x46: {  	_ =	shalt  }
0x47: {  	_ =	shalt  }
0x48: {  	_ =	shalt  }
0x49: {  	_ =	shalt  }
0x4a: {  	_ =	shalt  }
0x4b: {  	_ =	shalt  }
0x4c: {  	_ =	shalt  }
0x4d: {  	_ =	shalt  }
0x4e: {  	_ =	shalt  }
0x4f: {  	_ =	shalt  }
0x50: {  	_ =	shalt  }
0x51: {  	_ =	shalt  }
0x52: {  	_ =	shalt  }
0x53: {  	_ =	shalt  }
0x54: {  	_ =	shalt  }
0x55: {  	_ =	shalt  }
0x56: {  	_ =	shalt  }
0x57: {  	_ =	shalt  }
0x58: {  	_ =	shalt  }
0x59: {  	_ =	shalt  }
0x5a: {  	_ =	shalt  }
0x5b: {  	_ =	shalt  }
0x5c: {  	_ =	shalt  }
0x5d: {  	_ =	shalt  }
0x5e: {  	_ =	shalt  }
0x5f: {  	_ =	shalt  }
0x60: {  	_ =	shalt  }
0x61: {  	_ =	shalt  }
0x62: {  	_ =	shalt  }
0x63: {  	_ =	shalt  }
0x64: {  	_ =	shalt  }
0x65: {  	_ =	shalt  }
0x66: {  	_ =	shalt  }
0x67: {  	_ =	shalt  }
0x68: {  	_ =	shalt  }
0x69: {  	_ =	shalt  }
0x6a: {  	_ =	shalt  }
0x6b: {  	_ =	shalt  }
0x6c: {  	_ =	shalt  }
0x6d: {  	_ =	shalt  }
0x6e: {  	_ =	shalt  }
0x6f: {  	_ =	shalt  }
0x70: {  	_ =	shalt  }
0x71: {  	_ =	shalt  }
0x72: {  	_ =	shalt  }
0x73: {  	_ =	shalt  }
0x74: {  	_ =	shalt  }
0x75: {  	_ =	shalt  }
0x76: {  	_ =	shalt  }
0x77: {  	_ =	shalt  }
0x78: {  	_ =	shalt  }
0x79: {  	_ =	shalt  }
0x7a: {  	_ =	shalt  }
0x7b: {  	_ =	shalt  }
0x7c: {  	_ =	shalt  }
0x7d: {  	_ =	shalt  }
0x7e: {  	_ =	shalt  }
0x7f: {  	_ =	shalt  }
0x80: {  	_ =	shalt  }
0x81: {  	_ =	shalt  }
0x82: {  	_ =	shalt  }
0x83: {  	_ =	shalt  }
0x84: {  	_ =	shalt  }
0x85: {  	_ =	shalt  }
0x86: {  	_ =	shalt  }
0x87: {  	_ =	shalt  }
.Lfunc_end0:
.L_simem_size_0:
called_computation_lowered:
.L_overlay_start_0:
0x88: {  	s0 =	sld [smem:$0x3FD9]  }
0x89: {  	s1 =	sld [smem:$0x3FFE];
	_ =	sdelay $0x3  }
0x8a: {  	s0 =	sadd.s32 s1, s0  }
0x8b: {  	[smem:$0x3FC4] =	sst s0  }
0x8c: {  	_ = 	snop  }
0x8d: {  	s0 =	sld [smem:$0x3FC9]  }
0x8e: {  	s17 =	sld [smem:$0x3FC8]  }
0x8f: {  	s2 =	sld [smem:$0x3FC7]  }
0x90: {  	s3 =	sld [smem:$0x3FC6]  }
0x91: {  	s4 =	sld [smem:$0x3FD0];
	(tm) =	ssettm $0x1  }
0x92: {  	s5 =	sld [smem:$0x3FFB];
	_ =	sdelay $0x3  }
0x93: {  	_ =	strace s5  }
0x94: {  	s5 =	sld [smem:$0x3FFC];
	_ =	sdelay $0x3  }
0x95: {  	_ =	strace s5  }
0x96: {  	s5 =	sld [smem:$0x3FFD];
	_ =	sdelay $0x3  }
0x97: {  	_ =	strace s5  }
0x98: {  	_ =	strace $0x8FFFFFFF  }
0x99: {  	s18 =	sld [smem:$0x3FDB];
	_ =	sdelay $0x1  }
0x9a: {  	s6 =	simm.s32 $_scs_section_size  }
0x9b: {  	s7 =	simm.s32 $_size__tile_overlayer_lowered;
	s8 =	simm.s32 $_tile_overlayer_lowered  }
0x9c: {  	s21 =	simm.s32 $0x1BFF;
	s20 =	sshll.u32 s8, $0x1;
	s5 =	sadd.s32 s6, s18  }
0x9d: {  	s9 =	simm.s32 $0x0;
	s19 =	sshll.u32 s7, $0x1;
	s7 =	sadd.s32 s20, s5  }
0x9e: {  	[timem:s9], [sflag:s21] =	dma.local [hbm:s7], s19  }
0x9f: {  	_ =	swait.ge [sflag:s21], s19  }
0xa0: {  	s6 =	ssub.s32 $0x0, s19;
	[sflag:s21] =	ssyncset.done $0x0  }
0xa1: {  	[sflag:s21] =	ssyncadd.s32 s6;
	_ =	sdelay $0x1  }
0xa2: {  	s22 =	simm.s32 $0x1B8B  }
0xa3: {  	_ =	swait.ge [sflag:s22], $0x1  }
0xa4: {  	[sflag:s22] =	ssyncset.done $0x0  }
0xa5: {  	s23 =	simm.s32 $0x1B8E;
	[sflag:s22] =	ssyncadd.s32 $0xFFFFFFFF  }
0xa6: {  	s24 =	simm.s32 $execute0_lowered;
	[smem:$0x3FD2] =	sst s23  }
0xa7: {  	s6 =	sshll.u32 s24, $0x1;
	_ =	strace $0x80000046;
	[dreg:$0x1] =	wrdreg $0xFFFFFFFF  }
0xa8: {  	s25 =	simm.s32 $_size_execute0_lowered;
	s5 =	sadd.s32 s5, s6;
	[dreg:$0x0] =	wrdreg $0x0  }
0xa9: {  	s6 =	sshll.u32 s25, $0x1;
	[dreg:$0x2] =	wrdreg s5  }
0xaa: {  	[dreg:$0x3] =	wrdreg s6  }
0xab: {  	[dreg:$0x4] =	wrdreg $0xC0  }
0xac: {  	_ =	task [dreg:s9], $0x5FFFF  }
0xad: {  	[dreg:$0x1] =	wrdreg $0xFFFFFFFF  }
0xae: {  	[dreg:$0x0] =	wrdreg $0x60  }
0xaf: {  	[dreg:$0x2] =	wrdreg s0  }
0xb0: {  	[dreg:$0x3] =	wrdreg s17  }
0xb1: {  	[dreg:$0x4] =	wrdreg s2  }
0xb2: {  	[dreg:$0x5] =	wrdreg s3  }
0xb3: {  	[dreg:$0x6] =	wrdreg s4  }
0xb4: {  	[dreg:$0x7] =	wrdreg $0x9  }
0xb5: {  	_ =	task.clear_ibuf [dreg:s9], $0x8FFFF;
	_ =	strace $0x90000046  }
0xb6: {  	s26 =	simm.s32 $0x9;
	_ =	strace $0x80000048  }
0xb7: {  	_ =	swait.ge [sflag:s26], $0x1  }
0xb8: {  	[sflag:s26] =	ssyncadd.s32 $0xFFFFFFFF  }
0xb9: {  	_ =	strace $0x90000048  }
0xba: {  	_ =	sfence  }
0xbb: {  	s28 =	sld [smem:$0x0];
	_ =	sdelay $0x1  }
0xbc: {  	s29 =	srdreg.scid  }
0xbd: {  	s30 =	sshll.u32 s29, $0xD;
	s31 =	sshrl.u32 s29, $0x2  }
0xbe: {  	s1 =	sand.u32 $0x1, s29;
	s2 =	sand.u32 $0x4000, s30;
	s0 =	sadd.s32 s31, s28  }
0xbf: {  	s1 =	sor.u32 s2, s1;
	s0 =	sshll.u32 s0, $0x11  }
0xc0: {  	s0 =	sor.u32 s0, s1  }
0xc1: {  	s0 =	sadd.s32 $0x8F2B, s0  }
0xc2: {  	[sflag:s0] =	ssyncadd.remote.s32 $0x1  }
0xc3: {  	_ =	sfence.sel $0xFFFF  }
0xc4: {  	[dreg:$0x0] =	wrdreg $0xFFFFFFFF;
	(pc) =	sbr.abs _section_cstart, $3  }
0xc5: {  	[dreg:$0x1] =	wrdreg $0xFFFFFFFF  }
0xc6: {  	_ =	task.clear_ibuf [dreg:s9], $0x2FFFF;
	_ =	strace $0x9FFFFFFF  }
0xc7: {  	(tm) =	ssettm $0x7FFFFFFF  }
tec
execute0_lowered:
.L_overlay_start_1:
0x0: {  	(tag) =	ssettag $0x1  }
0x1: {  	s5 =	rddreg [dreg:$0x0]  }
0x2: {  	s4 =	rddreg [dreg:$0x1]  }
0x3: {  	s3 =	rddreg [dreg:$0x2]  }
0x4: {  	s6 =	rddreg [dreg:$0x3]  }
0x5: {  	s1 =	rddreg [dreg:$0x4];
	s2 =	simm.s32 $0x0  }
0x6: {  	s7 =	stileid.u32;
	[smem:$0x7FF] =	sst s2  }
0x7: {  	s0 =	rddreg [dreg:$0x5];
	p0 =	sne.s32 s7, $0x0;
	_ =	strace $0x80000047  }
0x8: {  	_ =	sfence.sel @p0 $0x180000  }
0x9: {  	[bflag:$0x0] =	sbarrier.arrive @p0 $0xFFFF  }
0xa: {  	_ =	strace @p0 $0x90000047  }
0xb: {  	[bflag:$0x2] =	sbarrier.arrive @p0 $0xFFFF  }
0xc: {  	_ =	shalt @p0  }
.LBB2_1:
0xd: {  	v0 =	vimm.s32 $0x0;
	v1 =	vimm.s32 $0x1;
	vm0 =	vcmask $0x300  }
0xe: {  	[tilespmem:$0x0] =	vst v0;
	v57 =	vsel vm0, $0x0, v1  }
0xf: {  	s7 =	simm.s32 $0x10;
	s8 =	simm.s32 $0x80;
	[tilespmem:$0x100] =	vst v57  }
0x10: {  	[tilespmem:s8], [sflag:$0x1] =	stream.indirect.gather [hbm4b:s5+s7], $0x1, s2, s7, $0xb8;
	[tilespmem:$0xF80] =	vst v63  }
0x11: {  	s15 =	simm.s32 $0x100;
	s16 =	simm.s32 $0x180  }
0x12: {  	[tilespmem:s16], [sflag:$0x2] =	stream.indirect.gather [hbm4b:s6+s7], $0x1, s15, s7, $0xb8;
	[tilespmem:$0xF80] =	vst v63  }
0x13: {  	s17 =	simm.s32 $0xE00;
	s18 =	simm.s32 $0x3  }
0x14: {  	[tilespmem:s17], [sflag:$0x3] =	stream.linear.gather [hbm4b:s3+s2], $0x100, $0x38;
	[tilespmem:$0xF80] =	vst v63  }
0x15: {  	_ =	swait.ge [sflag:s18], $0x100  }
0x16: {  	[sflag:s18] =	ssyncset.done $0x0  }
0x17: {  	s19 =	simm.s32 $0x1;
	[sflag:s18] =	ssyncadd.s32 $0xFFFFFF00  }
0x18: {  	_ =	swait.ge [sflag:s19], $0x10  }
0x19: {  	[sflag:s19] =	ssyncset.done $0x0  }
0x1a: {  	[sflag:s19] =	ssyncadd.s32 $0xFFFFFFF0  }
0x1b: {  	v58 =	vld [tilespmem:$0x80];
	_ =	sdelay $0x4  }
0x1c: {  	(v2sf) =	vpush v58, $0x0;
	_ =	sdelay $0xe  }
0x1d: {  	s20 =	spop (v2sf)  }
0x1e: {  	s21 =	sshra.s32 s20, $0x1F  }
0x1f: {  	s7 =	sshrl.u32 s21, $0x19  }
0x20: {  	s23 =	simm.s32 $0x400;
	s7 =	sadd.s32 s7, s20  }
0x21: {  	s9 =	simm.s32 $0x7A1400;
	s22 =	sand.u32 $0xFFFFF80, s7  }
0x22: {  	s10 =	simm.s32 $0x200;
	s25 =	sand.u32 $0xFFFFFF80, s7;
	s4 =	sadd.s32 s4, s22  }
0x23: {  	[tilespmem:s10], [sflag:$0x1] =	stream.strided.gather [hbm4b:s4+s23], $0x800, s9, s23, $0x38;
	[tilespmem:$0xF80] =	vst v63  }
0x24: {  	s24 =	simm.s32 $0xA00;
	s6 =	ssub.s32 s20, s25;
	s4 =	sadd.s32 $0x1E8500, s4  }
0x25: {  	[tilespmem:s24], [sflag:$0x1] =	stream.linear.gather [hbm4b:s4+s2], $0x200, $0x38;
	[tilespmem:$0xF80] =	vst v63  }
0x26: {  	s4 =	sshll.u32 s6, $0x18;
	v59 =	vld [tilespmem:$0xE80]  }
0x27: {  	v60 =	vld [tilespmem:$0xE00];
	s4 =	sshra.s32 s4, $0x1F  }
0x28: {  	s26 =	simm.s32 $0x2;
	v2 =	vld [tilespmem:$0xE84];
	s4 =	sand.u32 $0xF, s4  }
0x29: {  	v3 =	vld [tilespmem:$0xE04];
	_ =	swait.ge [sflag:s26], $0x10;
	s4 =	sadd.s32 s4, s6  }
0x2a: {  	[sflag:s26] =	ssyncset.done $0x0;
	s4 =	sand.u32 $0xF0, s4  }
0x2b: {  	[sflag:s26] =	ssyncadd.s32 $0xFFFFFFF0;
	s4 =	ssub.s32 s6, s4  }
0x2c: {  	v4 =	vld [tilespmem:$0x180];
	_ =	swait.ge [sflag:s19], $0xA00;
	s4 =	sshll.u32 s4, $0x18  }
0x2d: {  	[sflag:s19] =	ssyncset.done $0x0;
	s4 =	sshra.s32 s4, $0x18  }
0x2e: {  	[sflag:s19] =	ssyncadd.s32 $0xFFFFF600;
	s6 =	ssub.s32 s6, s4  }
0x2f: {  	v5 =	vld [tilespmem:s6+$0x200]  }
0x30: {  	v0 =	vsub.f32 v59, v60;
	s28 =	sand.u32 $0xFFFFFFF0, s6  }
0x31: {  	v61 =	vld [tilespmem:s28+$0x280]  }
0x32: {  	v6 =	vbroadcast v0, $0x0  }
0x33: {  	v7 =	vld [tilespmem:s28+$0x300]  }
0x34: {  	v62 =	vbroadcast v0, $0x1;
	v5 =	vmul.f32 v5, v6  }
0x35: {  	v8 =	vld [tilespmem:s28+$0x380]  }
0x36: {  	v63 =	vbroadcast v0, $0x2;
	v1 =	vmul.f32 v61, v62;
	v5 =	vadd.f32 $0.0e+00, v5  }
0x37: {  	v9 =	vld [tilespmem:s28+$0x400]  }
0x38: {  	v13 =	vbroadcast v0, $0x3;
	v12 =	vmul.f32 v7, v63;
	v1 =	vadd.f32 v1, v5  }
0x39: {  	v14 =	vld [tilespmem:s28+$0x480]  }
0x3a: {  	v16 =	vbroadcast v0, $0x4;
	v15 =	vmul.f32 v8, v13;
	v1 =	vadd.f32 v12, v1  }
0x3b: {  	v17 =	vld [tilespmem:s28+$0x500]  }
0x3c: {  	v19 =	vbroadcast v0, $0x5;
	v18 =	vmul.f32 v9, v16;
	v1 =	vadd.f32 v15, v1  }
0x3d: {  	v20 =	vld [tilespmem:s28+$0x580]  }
0x3e: {  	v22 =	vbroadcast v0, $0x6;
	v21 =	vmul.f32 v14, v19;
	v1 =	vadd.f32 v18, v1  }
0x3f: {  	v23 =	vld [tilespmem:s28+$0x600]  }
0x40: {  	v25 =	vbroadcast v0, $0x7;
	v24 =	vmul.f32 v17, v22;
	v1 =	vadd.f32 v21, v1  }
0x41: {  	v26 =	vld [tilespmem:s28+$0x680]  }
0x42: {  	v28 =	vbroadcast v0, $0x8;
	v27 =	vmul.f32 v20, v25;
	v1 =	vadd.f32 v24, v1  }
0x43: {  	v29 =	vld [tilespmem:s28+$0x700]  }
0x44: {  	v31 =	vbroadcast v0, $0x9;
	v30 =	vmul.f32 v23, v28;
	v1 =	vadd.f32 v27, v1  }
0x45: {  	v32 =	vld [tilespmem:s28+$0x780]  }
0x46: {  	v34 =	vbroadcast v0, $0xA;
	v33 =	vmul.f32 v26, v31;
	v1 =	vadd.f32 v30, v1  }
0x47: {  	v35 =	vld [tilespmem:s28+$0x800]  }
0x48: {  	v37 =	vbroadcast v0, $0xB;
	v36 =	vmul.f32 v29, v34;
	v1 =	vadd.f32 v33, v1  }
0x49: {  	v40 =	vld [tilespmem:s28+$0x880]  }
0x4a: {  	v39 =	vbroadcast v0, $0xC;
	v38 =	vmul.f32 v32, v37;
	v1 =	vadd.f32 v36, v1  }
0x4b: {  	v42 =	vld [tilespmem:s28+$0x900]  }
0x4c: {  	v43 =	vbroadcast v0, $0xD;
	v41 =	vmul.f32 v35, v39;
	v1 =	vadd.f32 v38, v1  }
0x4d: {  	v45 =	vbroadcast v0, $0xE;
	(v2sf) =	vpush v4, $0x1;
	v44 =	vld [tilespmem:s28+$0x980]  }
0x4e: {  	(v2sf) =	vpush v4, $0x0;
	v7 =	vmul.f32 v40, v43;
	v1 =	vadd.f32 v41, v1  }
0x4f: {  	v2 =	vsub.f32 v2, v3;
	v46 =	vld [tilespmem:s28+$0xA00]  }
0x50: {  	v0 =	vbroadcast v0, $0xF;
	v4 =	vmul.f32 v42, v45;
	v1 =	vadd.f32 v7, v1  }
0x51: {  	v47 =	vld [tilespmem:s28+$0xA80]  }
0x52: {  	v48 =	vbroadcast v2, $0xC;
	v0 =	vmul.f32 v44, v0;
	v1 =	vadd.f32 v4, v1  }
0x53: {  	v49 =	vld [tilespmem:s28+$0xB00]  }
0x54: {  	v51 =	vbroadcast v2, $0xD;
	v50 =	vmul.f32 v46, v48;
	v0 =	vadd.f32 v0, v1  }
0x55: {  	v52 =	vld [tilespmem:s28+$0xB80]  }
0x56: {  	v54 =	vbroadcast v2, $0xE;
	v53 =	vmul.f32 v47, v51;
	v0 =	vadd.f32 v50, v0;
	_ =	sdelay $0x1  }
0x57: {  	v2 =	vbroadcast v2, $0xF;
	v55 =	vmul.f32 v49, v54;
	v0 =	vadd.f32 v53, v0;
	_ =	sdelay $0x1  }
0x58: {  	v56 =	vmul.f32 v52, v2;
	v0 =	vadd.f32 v55, v0;
	_ =	sdelay $0x1  }
0x59: {  	s29 =	spop (v2sf);
	v0 =	vadd.f32 v56, v0  }
0x5a: {  	v57 =	vmov s4;
	s30 =	spop (v2sf)  }
0x5b: {  	s4 =	ssub.f32 s29, s30;
	v0 =	vperm.xlane v0, v57;
	_ =	sdelay $0x1  }
0x5c: {  	v0 =	vadd.f32 s4, v0;
	_ =	sdelay $0x1  }
0x5d: {  	v58 =	vsub.f32 $0.0e+00, v0  }
0x5e: {  	vm15 =	vmmov $0x1  }
0x5f: {  	v0 =	vsel vm15, v0, v58  }
0x60: {  	v1 =	vand.u32 $0x7FFFFFFF, v0  }
0x61: {  	v1 =	vmin.f32 v1, $1.600000000e+01  }
0x62: {  	v1 =	vmul.f32 $1.250000000e-01, v1;
	_ =	sdelay $0x1  }
0x63: {  	v1 =	vadd.f32 $-1.000000000e+00, v1;
	_ =	sdelay $0x1  }
0x64: {  	v1 =	vsub.f32 $0.0e+00, v1;
	_ =	sdelay $0x1  }
0x65: {  	v59 =	vmul.f32 $2.755732000e-07, v1;
	_ =	sdelay $0x1  }
0x66: {  	v2 =	vadd.f32 $2.755731880e-06, v59;
	_ =	sdelay $0x1  }
0x67: {  	v2 =	vmul.f32 v2, v1;
	_ =	sdelay $0x1  }
0x68: {  	v2 =	vadd.f32 $2.480158760e-05, v2;
	_ =	sdelay $0x1  }
0x69: {  	v2 =	vmul.f32 v2, v1;
	_ =	sdelay $0x1  }
0x6a: {  	v2 =	vadd.f32 $1.984127010e-04, v2;
	_ =	sdelay $0x1  }
0x6b: {  	v2 =	vmul.f32 v2, v1;
	_ =	sdelay $0x1  }
0x6c: {  	v2 =	vadd.f32 $1.388888920e-03, v2;
	_ =	sdelay $0x1  }
0x6d: {  	v2 =	vmul.f32 v2, v1;
	_ =	sdelay $0x1  }
0x6e: {  	v2 =	vadd.f32 $8.333333770e-03, v2;
	_ =	sdelay $0x1  }
0x6f: {  	v2 =	vmul.f32 v2, v1;
	_ =	sdelay $0x1  }
0x70: {  	v2 =	vadd.f32 $4.166666790e-02, v2;
	_ =	sdelay $0x1  }
0x71: {  	v2 =	vmul.f32 v2, v1;
	_ =	sdelay $0x1  }
0x72: {  	v2 =	vadd.f32 $1.666666720e-01, v2;
	_ =	sdelay $0x1  }
0x73: {  	v2 =	vmul.f32 v2, v1;
	_ =	sdelay $0x1  }
0x74: {  	v2 =	vadd.f32 $5.000000000e-01, v2;
	_ =	sdelay $0x1  }
0x75: {  	v2 =	vmul.f32 v2, v1;
	_ =	sdelay $0x1  }
0x76: {  	v2 =	vadd.f32 $1.000000000e+00, v2;
	_ =	sdelay $0x1  }
0x77: {  	v1 =	vmul.f32 v2, v1;
	_ =	sdelay $0x1  }
0x78: {  	v1 =	vadd.f32 $1.000000000e+00, v1;
	_ =	sdelay $0x1  }
0x79: {  	v1 =	vmul.f32 $3.678794500e-01, v1;
	_ =	sdelay $0x1  }
0x7a: {  	v1 =	vmul.f32 v1, v1;
	_ =	sdelay $0x1  }
0x7b: {  	v1 =	vmul.f32 v1, v1;
	_ =	sdelay $0x1  }
0x7c: {  	v1 =	vmul.f32 v1, v1;
	_ =	sdelay $0x1  }
0x7d: {  	v60 =	vmul.f32 $-1.574999990e-01, v1;
	_ =	sdelay $0x1  }
0x7e: {  	v61 =	vadd.f32 $2.000000000e+00, v1;
	v2 =	vadd.f32 $4.925000070e-01, v60;
	_ =	sdelay $0x1  }
0x7f: {  	v62 =	vmul.f32 v2, v61;
	_ =	sdelay $0x1  }
0x80: {  	v4 =	vsub.f32 $2.000000000e+00, v62;
	_ =	sdelay $0x1  }
0x81: {  	v2 =	vmul.f32 v4, v2;
	_ =	sdelay $0x1  }
0x82: {  	v4 =	vmul.f32 v2, v61;
	_ =	sdelay $0x1  }
0x83: {  	v4 =	vsub.f32 $2.000000000e+00, v4;
	_ =	sdelay $0x1  }
0x84: {  	v2 =	vmul.f32 v4, v2;
	_ =	sdelay $0x1  }
0x85: {  	v3 =	vmul.f32 v2, v61;
	_ =	sdelay $0x1  }
0x86: {  	v3 =	vsub.f32 $2.000000000e+00, v3;
	_ =	sdelay $0x1  }
0x87: {  	v2 =	vmul.f32 v3, v2;
	_ =	sdelay $0x1  }
0x88: {  	v1 =	vmul.f32 v2, v1;
	_ =	sdelay $0x1  }
0x89: {  	v2 =	vmul.f32 v1, v1;
	_ =	sdelay $0x1  }
0x8a: {  	v63 =	vmul.f32 $1.111111120e-01, v2;
	_ =	sdelay $0x1  }
0x8b: {  	v3 =	vadd.f32 $1.428571490e-01, v63;
	_ =	sdelay $0x1  }
0x8c: {  	v3 =	vmul.f32 v3, v2;
	_ =	sdelay $0x1  }
0x8d: {  	v3 =	vadd.f32 $2.000000030e-01, v3;
	_ =	sdelay $0x1  }
0x8e: {  	v3 =	vmul.f32 v3, v2;
	_ =	sdelay $0x1  }
0x8f: {  	v3 =	vadd.f32 $3.333333430e-01, v3;
	_ =	sdelay $0x1  }
0x90: {  	v2 =	vmul.f32 v3, v2;
	_ =	sdelay $0x1  }
0x91: {  	v1 =	vadd.f32 v1, v1;
	v2 =	vadd.f32 $1.000000000e+00, v2;
	_ =	sdelay $0x1  }
0x92: {  	v1 =	vmul.f32 v2, v1  }
0x93: {  	v0 =	vmax.f32 v0, $0.0e+00  }
0x94: {  	v0 =	vadd.f32 v1, v0;
	_ =	sdelay $0x1  }
0x95: {  	v0 =	vsub.f32 $0.0e+00, v0;
	_ =	sdelay $0x1  }
0x96: {  	s31 =	simm.s32 $0xF00;
	[tilespmem:$0xF00] =	vst v0  }
0x97: {  	[hbm4b:s1+s2] =	stream.linear.scatter [tilespmem:s31], [sflag:$0x3], $0x80, $0x38;
	[tilespmem:$0xF80] =	vst v63  }
0x98: {  	_ =	swait.ge [sflag:s18], $0x80  }
0x99: {  	[sflag:s18] =	ssyncset.done $0x0  }
0x9a: {  	[sflag:s18] =	ssyncadd.s32 $0xFFFFFF80  }
0x9b: {  	_ =	sfence.sel $0x180000  }
0x9c: {  	[bflag:$0x0] =	sbarrier.arrive $0xFFFF  }
0x9d: {  	_ =	strace $0x90000047  }
0x9e: {  	s0 =	sadd.s32 $0x100000, s0;
	[bflag:$0x2] =	sbarrier.arrive $0xFFFF  }
0x9f: {  	[sflag:s0] =	ssyncadd.tile.s32 $0x1;
	_ =	shalt  }
.Lfunc_end2:
_tile_overlayer_lowered:
.L_overlay_start_2:
0xa0: {  	(tag) =	ssettag $0x2  }
0xa1: {  	s0 =	rddreg [dreg:$0x0];
	s2 =	stileid.u32  }
0xa2: {  	s1 =	rddreg [dreg:$0x1];
	p0 =	sne.s32 s2, $0x0  }
0xa3: {  	s3 =	rddreg [dreg:$0x2];
	[bflag:$0x3] =	sbarrier.arrive $0xFFFF;
	s2 =	simm.s32 @!p0 $0x1C03  }
0xa4: {  	[timem:s3], [sflag:s2] =	dma.local @!p0 [hbm:s0], s1  }
0xa5: {  	s0 =	simm.s32 @!p0 $0x3  }
0xa6: {  	_ =	swait.ge @!p0 [sflag:s0], s1  }
0xa7: {  	s1 =	ssub.s32 @!p0 $0x0, s1;
	[sflag:s0] =	ssyncset.done @!p0 $0x0  }
0xa8: {  	[sflag:s0] =	ssyncadd.s32 @!p0 s1  }
0xa9: {  	[bflag:$0x3] =	sbarrier.arrive $0xFFFF  }
0xaa: {  	_ =	shalt  }

</sc_bundles>
